<compile_context>
chip_gen: v7x
topology: tpu7x:2x2x1
jax: 0.10.2.dev20260603
libtpu: 0.0.44.dev20260713+nightly
codegen_flags: <defaults>
</compile_context>

<pallas_src>
import functools

import jax
import jax.numpy as jnp
from jax import lax
from jax.experimental import pallas as pl
from jax.experimental.pallas import tpu as pltpu
from jax.experimental.pallas import tpu_sc as plsc

B = 16384
F = 26
V = 1000000
NC, NS, L = 2, 16, 16
NW = NC * NS
RPW = B // NW
GPW = RPW * F


def _body(xf_hbm, table_hbm, bias_hbm, out_hbm,
          idx_v, rows_v, acc_v, z_v, bias_v, sem):
    wid = lax.axis_index("s") * NC + lax.axis_index("c")
    base = wid * RPW
    pltpu.sync_copy(xf_hbm.at[pl.ds(wid * GPW, GPW)], idx_v)
    z_v[...] = lax.iota(jnp.int32, L) * 0
    cpb = pltpu.async_copy(bias_hbm.at[z_v], bias_v, sem)
    tview = table_hbm.at[0]
    cpg = pltpu.async_copy(tview.at[idx_v], rows_v, sem)
    cpb.wait()
    cpg.wait()
    bvec = bias_v[...]

    def red(i, carry):
        b16 = pl.multiple_of(i * L, L)
        acc = bvec
        for f in range(F):
            acc = acc + rows_v[pl.ds(f * RPW + b16, L)]
        acc_v[pl.ds(b16, L)] = acc
        return carry

    lax.fori_loop(0, RPW // L, red, 0)
    pltpu.sync_copy(acc_v, out_hbm.at[pl.ds(base, RPW)])


_launch = functools.partial(
    pl.kernel,
    out_type=jax.ShapeDtypeStruct((B,), jnp.float32),
    mesh=plsc.VectorSubcoreMesh(
        core_axis_name="c", subcore_axis_name="s", num_cores=NC, num_subcores=NS),
    scratch_types=[
        pltpu.VMEM((GPW,), jnp.int32),
        pltpu.VMEM((GPW,), jnp.float32),
        pltpu.VMEM((RPW,), jnp.float32),
        pltpu.VMEM((L,), jnp.int32),
        pltpu.VMEM((L,), jnp.float32),
        pltpu.SemaphoreType.DMA,
    ],
)(_body)


def kernel(X, table, bias):
    xf = X.reshape(NW, RPW, F).transpose(0, 2, 1).reshape(-1)
    t1m = table.reshape(1, V)
    out = _launch(xf, t1m, bias)
    return out.reshape(B, 1)

# --- scband reference (transcript-rebuilt; emitter-appended) ---
"""Pipeline reference for scband-logistic-regression-15470472201002 (READ-ONLY COPY).

The authoritative reference and input builder live on the scoring server;
editing this copy changes nothing except your own understanding.
"""

import jax, jax.numpy as jnp
import numpy as np

BATCH = 16384
N_FIELDS = 26
VOCAB = 1000000

def setup_inputs(seed: int = 0) -> dict:
    key = jax.random.key(seed)
    k_x, k_w = jax.random.split(key)
    X = jax.random.randint(k_x, (BATCH, N_FIELDS), 0, VOCAB, dtype=jnp.int64 if jax.config.jax_enable_x64 else jnp.int32).astype(jnp.int32)
    # FeatureEmbedding table: one scalar weight per feature id (embedding_dim=1)
    table = jax.random.normal(k_w, (VOCAB, 1), dtype=jnp.float32) * 0.01
    bias = jnp.zeros((1,), dtype=jnp.float32)
    return {"X": X, "table": table, "bias": bias}

def reference(X, table, bias):
    # embedding lookup: [B, F] -> [B, F, 1]
    embed_weights = jnp.take(table, X, axis=0)
    # sum over fields: logistic-regression linear term
    output = embed_weights.sum(axis=1)  # [B, 1]
    output = output + bias
    return output

if __name__ == "__main__":
    import jax
    _d = setup_inputs()
    print(jax.jit(kernel)(*tuple(_d.values())))

</pallas_src>

<mosaic_0001>
#map = affine_map<(d0, d1) -> (0)>
#map1 = affine_map<(d0, d1) -> (0, 0)>
module attributes {stable_mosaic.version = 14 : i64} {
  func.func @_body(%arg0: i32, %arg1: i32, %arg2: memref<425984xi32, #tpu.memory_space<hbm>>, %arg3: memref<1x1000000xf32, #tpu.memory_space<hbm>>, %arg4: memref<1xf32, #tpu.memory_space<hbm>>, %arg5: memref<16384xf32, #tpu.memory_space<hbm>>, %arg6: memref<13312xi32, #tpu.memory_space<vmem>>, %arg7: memref<13312xf32, #tpu.memory_space<vmem>>, %arg8: memref<512xf32, #tpu.memory_space<vmem>>, %arg9: memref<16xi32, #tpu.memory_space<vmem>>, %arg10: memref<16xf32, #tpu.memory_space<vmem>>, %arg11: memref<!tpu.dma_semaphore, #tpu.memory_space<semaphore_mem>>) attributes {dimension_semantics = [#tpu.dimension_semantics<core_parallel>, #tpu.dimension_semantics<subcore_parallel>], iteration_bounds = array<i64: 2, 16>, scalar_prefetch = 0 : i64, scratch_operands = 6 : i64, tpu.core_type = #tpu.core_type<sc_vector_subcore>, window_params = [{transform_indices = #map}, {transform_indices = #map1}, {transform_indices = #map}, {transform_indices = #map}]} {
    %mul3A = arith.constant 2 : i32
    %mul3A_0 = arith.muli %arg1, %mul3A : i32
    %add3A = arith.addi %mul3A_0, %arg0 : i32
    %mul3A_1 = arith.constant 512 : i32
    %mul3A_2 = arith.muli %add3A, %mul3A_1 : i32
    %mul3A_3 = arith.constant 13312 : i32
    %mul3A_4 = arith.muli %add3A, %mul3A_3 : i32
    "tpu.region"() ({
      %run_scoped3A = tpu.sem_alloc : memref<!tpu.dma_semaphore, #tpu.memory_space<semaphore_mem>>
      %dma_start3A_32 = tpu.memref_slice %arg2[%mul3A_4] : memref<425984xi32, #tpu.memory_space<hbm>> -> memref<13312xi32, #tpu.memory_space<hbm>>
      %dma_start3A_33 = tpu.memref_slice %arg2[%mul3A_4] : memref<425984xi32, #tpu.memory_space<hbm>> -> memref<13312xi32, #tpu.memory_space<hbm>>
      tpu.enqueue_dma source(%dma_start3A_33 : memref<13312xi32, #tpu.memory_space<hbm>>) target(%arg6 : memref<13312xi32, #tpu.memory_space<vmem>>) target_semaphore(%run_scoped3A : memref<!tpu.dma_semaphore, #tpu.memory_space<semaphore_mem>>)
      %dma_wait3A_34 = tpu.memref_slice %arg2[%mul3A_4] : memref<425984xi32, #tpu.memory_space<hbm>> -> memref<13312xi32, #tpu.memory_space<hbm>>
      %dma_wait3A_35 = tpu.memref_slice %arg2[%mul3A_4] : memref<425984xi32, #tpu.memory_space<hbm>> -> memref<13312xi32, #tpu.memory_space<hbm>>
      tpu.wait_dma2 semaphore(%run_scoped3A : memref<!tpu.dma_semaphore, #tpu.memory_space<semaphore_mem>>) src(%dma_wait3A_35 : memref<13312xi32, #tpu.memory_space<hbm>>) dst(%arg6 : memref<13312xi32, #tpu.memory_space<vmem>>)
      tpu.yield
    }) : () -> ()
    %iota3A = tpu.iota {dimensions = array<i32: 0>} : vector<16xi32>
    %mul3A_5 = arith.constant 0 : i32
    %mul3A_6 = vector.broadcast %mul3A_5 : i32 to vector<16xi32>
    %mul3A_7 = arith.muli %iota3A, %mul3A_6 : vector<16xi32>
    %swap3A = arith.constant 0 : index
    %swap3A_8 = tpu.vector_load %arg9[%swap3A] {strides = array<i32>} : memref<16xi32, #tpu.memory_space<vmem>>, vector<16xi32>,
    %swap3A_9 = vector.shape_cast %swap3A_8 : vector<16xi32> to vector<16xi32>
    %swap3A_10 = vector.shape_cast %mul3A_7 : vector<16xi32> to vector<16xi32>
    tpu.vector_store %arg9[%swap3A], %swap3A_10 {strides = array<i32>} : memref<16xi32, #tpu.memory_space<vmem>>, vector<16xi32>,
    %dma_start3A = arith.constant 0 : i32
    %dma_start3A_11 = tpu.memref_slice %arg4[%dma_start3A] : memref<1xf32, #tpu.memory_space<hbm>> -> memref<1xf32, #tpu.memory_space<hbm>>
    tpu.enqueue_indirect_dma source(%dma_start3A_11 : memref<1xf32, #tpu.memory_space<hbm>>) target(%arg10 : memref<16xf32, #tpu.memory_space<vmem>>) offsets(%arg9 : memref<16xi32, #tpu.memory_space<vmem>>) semaphore(%arg11 : memref<!tpu.dma_semaphore, #tpu.memory_space<semaphore_mem>>)
    %dma_start3A_12 = arith.constant 0 : i32
    %dma_start3A_13 = arith.constant 0 : i32
    %dma_start3A_14 = tpu.memref_slice %arg3[%dma_start3A_12, %dma_start3A_13] : memref<1x1000000xf32, #tpu.memory_space<hbm>> -> memref<1x1000000xf32, #tpu.memory_space<hbm>>
    %dma_start3A_15 = tpu.memref_squeeze %dma_start3A_14 : memref<1x1000000xf32, #tpu.memory_space<hbm>> -> memref<1000000xf32, #tpu.memory_space<hbm>>
    %dma_start3A_16 = arith.constant 0 : i32
    %dma_start3A_17 = tpu.memref_slice %dma_start3A_15[%dma_start3A_16] : memref<1000000xf32, #tpu.memory_space<hbm>> -> memref<1000000xf32, #tpu.memory_space<hbm>>
    tpu.enqueue_indirect_dma source(%dma_start3A_17 : memref<1000000xf32, #tpu.memory_space<hbm>>) target(%arg7 : memref<13312xf32, #tpu.memory_space<vmem>>) offsets(%arg6 : memref<13312xi32, #tpu.memory_space<vmem>>) semaphore(%arg11 : memref<!tpu.dma_semaphore, #tpu.memory_space<semaphore_mem>>)
    %dma_wait3A = arith.constant 0 : i32
    %dma_wait3A_18 = tpu.memref_slice %arg4[%dma_wait3A] : memref<1xf32, #tpu.memory_space<hbm>> -> memref<1xf32, #tpu.memory_space<hbm>>
    tpu.wait_indirect_dma semaphore(%arg11 : memref<!tpu.dma_semaphore, #tpu.memory_space<semaphore_mem>>) src(%dma_wait3A_18 : memref<1xf32, #tpu.memory_space<hbm>>) dst(%arg10 : memref<16xf32, #tpu.memory_space<vmem>>)
    %dma_wait3A_19 = arith.constant 0 : i32
    %dma_wait3A_20 = arith.constant 0 : i32
    %dma_wait3A_21 = tpu.memref_slice %arg3[%dma_wait3A_19, %dma_wait3A_20] : memref<1x1000000xf32, #tpu.memory_space<hbm>> -> memref<1x1000000xf32, #tpu.memory_space<hbm>>
    %dma_wait3A_22 = tpu.memref_squeeze %dma_wait3A_21 : memref<1x1000000xf32, #tpu.memory_space<hbm>> -> memref<1000000xf32, #tpu.memory_space<hbm>>
    %dma_wait3A_23 = arith.constant 0 : i32
    %dma_wait3A_24 = tpu.memref_slice %dma_wait3A_22[%dma_wait3A_23] : memref<1000000xf32, #tpu.memory_space<hbm>> -> memref<1000000xf32, #tpu.memory_space<hbm>>
    tpu.wait_indirect_dma semaphore(%arg11 : memref<!tpu.dma_semaphore, #tpu.memory_space<semaphore_mem>>) src(%dma_wait3A_24 : memref<1000000xf32, #tpu.memory_space<hbm>>) dst(%arg7 : memref<13312xf32, #tpu.memory_space<vmem>>)
    %get3A = arith.constant 0 : index
    %get3A_25 = tpu.vector_load %arg10[%get3A] {strides = array<i32>} : memref<16xf32, #tpu.memory_space<vmem>>, vector<16xf32>,
    %get3A_26 = vector.shape_cast %get3A_25 : vector<16xf32> to vector<16xf32>
    %scan3A = arith.constant 0 : i32
    %scan3A_27 = arith.constant 0 : i32
    %scan3A_28 = arith.constant 32 : i32
    %scan3A_29 = arith.addi %scan3A_27, %scan3A_28 : i32
    %scan3A_30 = arith.constant 1 : i32
    scf.for %scan3A_32 = %scan3A_27 to %scan3A_29 step %scan3A_30  : i32 {
      %mul3A_33 = arith.constant 16 : i32
      %mul3A_34 = arith.muli %scan3A_32, %mul3A_33 : i32
      %multiple_of3A = tpu.assume_multiple %mul3A_34, 16 : i32
      %add3A_35 = arith.constant 0 : i32
      %add3A_36 = arith.addi %add3A_35, %multiple_of3A : i32
      %get3A_37 = arith.index_cast %add3A_36 : i32 to index
      %get3A_38 = tpu.vector_load %arg7[%get3A_37] {strides = array<i32>} : memref<13312xf32, #tpu.memory_space<vmem>>, vector<16xf32>,
      %get3A_39 = vector.shape_cast %get3A_38 : vector<16xf32> to vector<16xf32>
      %add3A_40 = arith.addf %get3A_26, %get3A_39 : vector<16xf32>
      %add3A_41 = arith.constant 512 : i32
      %add3A_42 = arith.addi %add3A_41, %multiple_of3A : i32
      %get3A_43 = arith.index_cast %add3A_42 : i32 to index
      %get3A_44 = tpu.vector_load %arg7[%get3A_43] {strides = array<i32>} : memref<13312xf32, #tpu.memory_space<vmem>>, vector<16xf32>,
      %get3A_45 = vector.shape_cast %get3A_44 : vector<16xf32> to vector<16xf32>
      %add3A_46 = arith.addf %add3A_40, %get3A_45 : vector<16xf32>
      %add3A_47 = arith.constant 1024 : i32
      %add3A_48 = arith.addi %add3A_47, %multiple_of3A : i32
      %get3A_49 = arith.index_cast %add3A_48 : i32 to index
      %get3A_50 = tpu.vector_load %arg7[%get3A_49] {strides = array<i32>} : memref<13312xf32, #tpu.memory_space<vmem>>, vector<16xf32>,
      %get3A_51 = vector.shape_cast %get3A_50 : vector<16xf32> to vector<16xf32>
      %add3A_52 = arith.addf %add3A_46, %get3A_51 : vector<16xf32>
      %add3A_53 = arith.constant 1536 : i32
      %add3A_54 = arith.addi %add3A_53, %multiple_of3A : i32
      %get3A_55 = arith.index_cast %add3A_54 : i32 to index
      %get3A_56 = tpu.vector_load %arg7[%get3A_55] {strides = array<i32>} : memref<13312xf32, #tpu.memory_space<vmem>>, vector<16xf32>,
      %get3A_57 = vector.shape_cast %get3A_56 : vector<16xf32> to vector<16xf32>
      %add3A_58 = arith.addf %add3A_52, %get3A_57 : vector<16xf32>
      %add3A_59 = arith.constant 2048 : i32
      %add3A_60 = arith.addi %add3A_59, %multiple_of3A : i32
      %get3A_61 = arith.index_cast %add3A_60 : i32 to index
      %get3A_62 = tpu.vector_load %arg7[%get3A_61] {strides = array<i32>} : memref<13312xf32, #tpu.memory_space<vmem>>, vector<16xf32>,
      %get3A_63 = vector.shape_cast %get3A_62 : vector<16xf32> to vector<16xf32>
      %add3A_64 = arith.addf %add3A_58, %get3A_63 : vector<16xf32>
      %add3A_65 = arith.constant 2560 : i32
      %add3A_66 = arith.addi %add3A_65, %multiple_of3A : i32
      %get3A_67 = arith.index_cast %add3A_66 : i32 to index
      %get3A_68 = tpu.vector_load %arg7[%get3A_67] {strides = array<i32>} : memref<13312xf32, #tpu.memory_space<vmem>>, vector<16xf32>,
      %get3A_69 = vector.shape_cast %get3A_68 : vector<16xf32> to vector<16xf32>
      %add3A_70 = arith.addf %add3A_64, %get3A_69 : vector<16xf32>
      %add3A_71 = arith.constant 3072 : i32
      %add3A_72 = arith.addi %add3A_71, %multiple_of3A : i32
      %get3A_73 = arith.index_cast %add3A_72 : i32 to index
      %get3A_74 = tpu.vector_load %arg7[%get3A_73] {strides = array<i32>} : memref<13312xf32, #tpu.memory_space<vmem>>, vector<16xf32>,
      %get3A_75 = vector.shape_cast %get3A_74 : vector<16xf32> to vector<16xf32>
      %add3A_76 = arith.addf %add3A_70, %get3A_75 : vector<16xf32>
      %add3A_77 = arith.constant 3584 : i32
      %add3A_78 = arith.addi %add3A_77, %multiple_of3A : i32
      %get3A_79 = arith.index_cast %add3A_78 : i32 to index
      %get3A_80 = tpu.vector_load %arg7[%get3A_79] {strides = array<i32>} : memref<13312xf32, #tpu.memory_space<vmem>>, vector<16xf32>,
      %get3A_81 = vector.shape_cast %get3A_80 : vector<16xf32> to vector<16xf32>
      %add3A_82 = arith.addf %add3A_76, %get3A_81 : vector<16xf32>
      %add3A_83 = arith.constant 4096 : i32
      %add3A_84 = arith.addi %add3A_83, %multiple_of3A : i32
      %get3A_85 = arith.index_cast %add3A_84 : i32 to index
      %get3A_86 = tpu.vector_load %arg7[%get3A_85] {strides = array<i32>} : memref<13312xf32, #tpu.memory_space<vmem>>, vector<16xf32>,
      %get3A_87 = vector.shape_cast %get3A_86 : vector<16xf32> to vector<16xf32>
      %add3A_88 = arith.addf %add3A_82, %get3A_87 : vector<16xf32>
      %add3A_89 = arith.constant 4608 : i32
      %add3A_90 = arith.addi %add3A_89, %multiple_of3A : i32
      %get3A_91 = arith.index_cast %add3A_90 : i32 to index
      %get3A_92 = tpu.vector_load %arg7[%get3A_91] {strides = array<i32>} : memref<13312xf32, #tpu.memory_space<vmem>>, vector<16xf32>,
      %get3A_93 = vector.shape_cast %get3A_92 : vector<16xf32> to vector<16xf32>
      %add3A_94 = arith.addf %add3A_88, %get3A_93 : vector<16xf32>
      %add3A_95 = arith.constant 5120 : i32
      %add3A_96 = arith.addi %add3A_95, %multiple_of3A : i32
      %get3A_97 = arith.index_cast %add3A_96 : i32 to index
      %get3A_98 = tpu.vector_load %arg7[%get3A_97] {strides = array<i32>} : memref<13312xf32, #tpu.memory_space<vmem>>, vector<16xf32>,
      %get3A_99 = vector.shape_cast %get3A_98 : vector<16xf32> to vector<16xf32>
      %add3A_100 = arith.addf %add3A_94, %get3A_99 : vector<16xf32>
      %add3A_101 = arith.constant 5632 : i32
      %add3A_102 = arith.addi %add3A_101, %multiple_of3A : i32
      %get3A_103 = arith.index_cast %add3A_102 : i32 to index
      %get3A_104 = tpu.vector_load %arg7[%get3A_103] {strides = array<i32>} : memref<13312xf32, #tpu.memory_space<vmem>>, vector<16xf32>,
      %get3A_105 = vector.shape_cast %get3A_104 : vector<16xf32> to vector<16xf32>
      %add3A_106 = arith.addf %add3A_100, %get3A_105 : vector<16xf32>
      %add3A_107 = arith.constant 6144 : i32
      %add3A_108 = arith.addi %add3A_107, %multiple_of3A : i32
      %get3A_109 = arith.index_cast %add3A_108 : i32 to index
      %get3A_110 = tpu.vector_load %arg7[%get3A_109] {strides = array<i32>} : memref<13312xf32, #tpu.memory_space<vmem>>, vector<16xf32>,
      %get3A_111 = vector.shape_cast %get3A_110 : vector<16xf32> to vector<16xf32>
      %add3A_112 = arith.addf %add3A_106, %get3A_111 : vector<16xf32>
      %add3A_113 = arith.constant 6656 : i32
      %add3A_114 = arith.addi %add3A_113, %multiple_of3A : i32
      %get3A_115 = arith.index_cast %add3A_114 : i32 to index
      %get3A_116 = tpu.vector_load %arg7[%get3A_115] {strides = array<i32>} : memref<13312xf32, #tpu.memory_space<vmem>>, vector<16xf32>,
      %get3A_117 = vector.shape_cast %get3A_116 : vector<16xf32> to vector<16xf32>
      %add3A_118 = arith.addf %add3A_112, %get3A_117 : vector<16xf32>
      %add3A_119 = arith.constant 7168 : i32
      %add3A_120 = arith.addi %add3A_119, %multiple_of3A : i32
      %get3A_121 = arith.index_cast %add3A_120 : i32 to index
      %get3A_122 = tpu.vector_load %arg7[%get3A_121] {strides = array<i32>} : memref<13312xf32, #tpu.memory_space<vmem>>, vector<16xf32>,
      %get3A_123 = vector.shape_cast %get3A_122 : vector<16xf32> to vector<16xf32>
      %add3A_124 = arith.addf %add3A_118, %get3A_123 : vector<16xf32>
      %add3A_125 = arith.constant 7680 : i32
      %add3A_126 = arith.addi %add3A_125, %multiple_of3A : i32
      %get3A_127 = arith.index_cast %add3A_126 : i32 to index
      %get3A_128 = tpu.vector_load %arg7[%get3A_127] {strides = array<i32>} : memref<13312xf32, #tpu.memory_space<vmem>>, vector<16xf32>,
      %get3A_129 = vector.shape_cast %get3A_128 : vector<16xf32> to vector<16xf32>
      %add3A_130 = arith.addf %add3A_124, %get3A_129 : vector<16xf32>
      %add3A_131 = arith.constant 8192 : i32
      %add3A_132 = arith.addi %add3A_131, %multiple_of3A : i32
      %get3A_133 = arith.index_cast %add3A_132 : i32 to index
      %get3A_134 = tpu.vector_load %arg7[%get3A_133] {strides = array<i32>} : memref<13312xf32, #tpu.memory_space<vmem>>, vector<16xf32>,
      %get3A_135 = vector.shape_cast %get3A_134 : vector<16xf32> to vector<16xf32>
      %add3A_136 = arith.addf %add3A_130, %get3A_135 : vector<16xf32>
      %add3A_137 = arith.constant 8704 : i32
      %add3A_138 = arith.addi %add3A_137, %multiple_of3A : i32
      %get3A_139 = arith.index_cast %add3A_138 : i32 to index
      %get3A_140 = tpu.vector_load %arg7[%get3A_139] {strides = array<i32>} : memref<13312xf32, #tpu.memory_space<vmem>>, vector<16xf32>,
      %get3A_141 = vector.shape_cast %get3A_140 : vector<16xf32> to vector<16xf32>
      %add3A_142 = arith.addf %add3A_136, %get3A_141 : vector<16xf32>
      %add3A_143 = arith.constant 9216 : i32
      %add3A_144 = arith.addi %add3A_143, %multiple_of3A : i32
      %get3A_145 = arith.index_cast %add3A_144 : i32 to index
      %get3A_146 = tpu.vector_load %arg7[%get3A_145] {strides = array<i32>} : memref<13312xf32, #tpu.memory_space<vmem>>, vector<16xf32>,
      %get3A_147 = vector.shape_cast %get3A_146 : vector<16xf32> to vector<16xf32>
      %add3A_148 = arith.addf %add3A_142, %get3A_147 : vector<16xf32>
      %add3A_149 = arith.constant 9728 : i32
      %add3A_150 = arith.addi %add3A_149, %multiple_of3A : i32
      %get3A_151 = arith.index_cast %add3A_150 : i32 to index
      %get3A_152 = tpu.vector_load %arg7[%get3A_151] {strides = array<i32>} : memref<13312xf32, #tpu.memory_space<vmem>>, vector<16xf32>,
      %get3A_153 = vector.shape_cast %get3A_152 : vector<16xf32> to vector<16xf32>
      %add3A_154 = arith.addf %add3A_148, %get3A_153 : vector<16xf32>
      %add3A_155 = arith.constant 10240 : i32
      %add3A_156 = arith.addi %add3A_155, %multiple_of3A : i32
      %get3A_157 = arith.index_cast %add3A_156 : i32 to index
      %get3A_158 = tpu.vector_load %arg7[%get3A_157] {strides = array<i32>} : memref<13312xf32, #tpu.memory_space<vmem>>, vector<16xf32>,
      %get3A_159 = vector.shape_cast %get3A_158 : vector<16xf32> to vector<16xf32>
      %add3A_160 = arith.addf %add3A_154, %get3A_159 : vector<16xf32>
      %add3A_161 = arith.constant 10752 : i32
      %add3A_162 = arith.addi %add3A_161, %multiple_of3A : i32
      %get3A_163 = arith.index_cast %add3A_162 : i32 to index
      %get3A_164 = tpu.vector_load %arg7[%get3A_163] {strides = array<i32>} : memref<13312xf32, #tpu.memory_space<vmem>>, vector<16xf32>,
      %get3A_165 = vector.shape_cast %get3A_164 : vector<16xf32> to vector<16xf32>
      %add3A_166 = arith.addf %add3A_160, %get3A_165 : vector<16xf32>
      %add3A_167 = arith.constant 11264 : i32
      %add3A_168 = arith.addi %add3A_167, %multiple_of3A : i32
      %get3A_169 = arith.index_cast %add3A_168 : i32 to index
      %get3A_170 = tpu.vector_load %arg7[%get3A_169] {strides = array<i32>} : memref<13312xf32, #tpu.memory_space<vmem>>, vector<16xf32>,
      %get3A_171 = vector.shape_cast %get3A_170 : vector<16xf32> to vector<16xf32>
      %add3A_172 = arith.addf %add3A_166, %get3A_171 : vector<16xf32>
      %add3A_173 = arith.constant 11776 : i32
      %add3A_174 = arith.addi %add3A_173, %multiple_of3A : i32
      %get3A_175 = arith.index_cast %add3A_174 : i32 to index
      %get3A_176 = tpu.vector_load %arg7[%get3A_175] {strides = array<i32>} : memref<13312xf32, #tpu.memory_space<vmem>>, vector<16xf32>,
      %get3A_177 = vector.shape_cast %get3A_176 : vector<16xf32> to vector<16xf32>
      %add3A_178 = arith.addf %add3A_172, %get3A_177 : vector<16xf32>
      %add3A_179 = arith.constant 12288 : i32
      %add3A_180 = arith.addi %add3A_179, %multiple_of3A : i32
      %get3A_181 = arith.index_cast %add3A_180 : i32 to index
      %get3A_182 = tpu.vector_load %arg7[%get3A_181] {strides = array<i32>} : memref<13312xf32, #tpu.memory_space<vmem>>, vector<16xf32>,
      %get3A_183 = vector.shape_cast %get3A_182 : vector<16xf32> to vector<16xf32>
      %add3A_184 = arith.addf %add3A_178, %get3A_183 : vector<16xf32>
      %add3A_185 = arith.constant 12800 : i32
      %add3A_186 = arith.addi %add3A_185, %multiple_of3A : i32
      %get3A_187 = arith.index_cast %add3A_186 : i32 to index
      %get3A_188 = tpu.vector_load %arg7[%get3A_187] {strides = array<i32>} : memref<13312xf32, #tpu.memory_space<vmem>>, vector<16xf32>,
      %get3A_189 = vector.shape_cast %get3A_188 : vector<16xf32> to vector<16xf32>
      %add3A_190 = arith.addf %add3A_184, %get3A_189 : vector<16xf32>
      %swap3A_191 = arith.index_cast %multiple_of3A : i32 to index
      %swap3A_192 = tpu.vector_load %arg8[%swap3A_191] {strides = array<i32>} : memref<512xf32, #tpu.memory_space<vmem>>, vector<16xf32>,
      %swap3A_193 = vector.shape_cast %swap3A_192 : vector<16xf32> to vector<16xf32>
      %swap3A_194 = vector.shape_cast %add3A_190 : vector<16xf32> to vector<16xf32>
      tpu.vector_store %arg8[%swap3A_191], %swap3A_194 {strides = array<i32>} : memref<512xf32, #tpu.memory_space<vmem>>, vector<16xf32>,
    }
    %scan3A_31 = arith.constant 32 : i32
    "tpu.region"() ({
      %run_scoped3A = tpu.sem_alloc : memref<!tpu.dma_semaphore, #tpu.memory_space<semaphore_mem>>
      %dma_start3A_32 = tpu.memref_slice %arg5[%mul3A_2] : memref<16384xf32, #tpu.memory_space<hbm>> -> memref<512xf32, #tpu.memory_space<hbm>>
      %dma_start3A_33 = tpu.memref_slice %arg5[%mul3A_2] : memref<16384xf32, #tpu.memory_space<hbm>> -> memref<512xf32, #tpu.memory_space<hbm>>
      tpu.enqueue_dma source(%arg8 : memref<512xf32, #tpu.memory_space<vmem>>) target(%dma_start3A_33 : memref<512xf32, #tpu.memory_space<hbm>>) target_semaphore(%run_scoped3A : memref<!tpu.dma_semaphore, #tpu.memory_space<semaphore_mem>>)
      %dma_wait3A_34 = tpu.memref_slice %arg5[%mul3A_2] : memref<16384xf32, #tpu.memory_space<hbm>> -> memref<512xf32, #tpu.memory_space<hbm>>
      %dma_wait3A_35 = tpu.memref_slice %arg5[%mul3A_2] : memref<16384xf32, #tpu.memory_space<hbm>> -> memref<512xf32, #tpu.memory_space<hbm>>
      tpu.wait_dma2 semaphore(%run_scoped3A : memref<!tpu.dma_semaphore, #tpu.memory_space<semaphore_mem>>) src(%arg8 : memref<512xf32, #tpu.memory_space<vmem>>) dst(%dma_wait3A_35 : memref<512xf32, #tpu.memory_space<hbm>>)
      tpu.yield
    }) : () -> ()
    return
  }
}

</mosaic_0001>

<sc_bundles>
// kernel: kernel.3.cloned.1.call-start
scs
__scs_entry_jumppad:
0x0: {  	(pc) =	sbr.rel $0x88, $3  }
0x1: {  	(tag) =	ssettag $0x0;
	lr =	simm.s32 $0x1  }
0x2: {  	[smem:$0x3F9E] =	sst lr;
	_ =	strace $0xD0000000  }
0x3: {  	_ = 	snop  }
0x4: {  	_ = 	snop  }
0x5: {  	_ = 	snop  }
0x6: {  	_ = 	snop  }
0x7: {  	_ = 	snop  }
__scs_overlays_trampoline_lowered:
0x8: {  	[smem:$0x3FAD] =	sst s0  }
0x9: {  	[smem:$0x3FAE] =	sst s1  }
0xa: {  	[smem:$0x3FAF] =	sst s2  }
0xb: {  	[smem:$0x3FB0] =	sst s3  }
0xc: {  	[smem:$0x3FB1] =	sst s4  }
0xd: {  	[smem:$0x3FB2] =	sst s5  }
0xe: {  	[smem:$0x3FB3] =	sst s6  }
0xf: {  	[smem:$0x3FB4] =	sst s7  }
0x10: {  	[smem:$0x3FB5] =	sst s8  }
0x11: {  	[smem:$0x3FB6] =	sst s9;
	s0 =	simm.s32 @!p0 $0x0  }
0x12: {  	s1 =	sld [smem:$0x3F9C];
	s0 =	simm.s32 @p0 $0x1  }
0x13: {  	[smem:$0x3FB7] =	sst s0;
	s0 =	simm.s32 @!p1 $0x0  }
0x14: {  	s2 =	sld [smem:$0x3F9B];
	s0 =	simm.s32 @p1 $0x1  }
0x15: {  	[smem:$0x3FB8] =	sst s0;
	s0 =	simm.s32 @!p2 $0x0  }
0x16: {  	s3 =	sld [smem:$0x3FDB];
	s0 =	simm.s32 @p2 $0x1  }
0x17: {  	s4 =	simm.s32 $0x1BF5;
	[smem:$0x3FBA] =	sst s0  }
0x18: {  	s0 =	sld [smem:$0x3F9D];
	_ =	swait.ge [sflag:s4], $0x0  }
0x19: {  	s7 =	sld [smem:$0x3F9E]  }
0x1a: {  	s8 =	sadd.s32 $0xFFFFE003, lr  }
0x1b: {  	s9 =	sadd.s32 $0xFFFFFEF7, lr;
	s5 =	simm.s32 $0xFFFFFFFF;
	p2 =	slt.u32 s8, $0xFFFFF086  }
0x1c: {  	p1 =	slt.u32 s9, $0xF7A;
	s5 =	simm.s32 @!p2 $0x0  }
0x1d: {  	s5 =	simm.s32 @p1 $0x1;
	p0 =	seq.s32 s7, s2  }
0x1e: {  	s7 =	smul.u32 @!p0 $0xF7A, s2;
	p2 =	seq.s32 @!p0 s5, $0x0  }
0x1f: {  	s9 =	smul.u32 $0xF7A, s1;
	s8 =	simm.s32 @!p0 $0x1BF5;
	p2 =	por !p2, p0  }
0x20: {  	[sflag:s8] =	ssyncset.s32 @!p0 $0xFFFFF086;
	s6 =	sadd.s32 @!p0 s3, s7;
	s7 =	simm.s32 @!p0 $0x108  }
0x21: {  	s3 =	sadd.s32 s3, s9;
	s6 =	sadd.s32 @!p0 $0x88, s6;
	s7 =	simm.s32 @p2 $0x1082  }
0x22: {  	[simem:s7], [sflag:s8] =	dma.local @!p0 [hbm:s6], $0xF7A  }
0x23: {  	s9 =	sor.u32 $0xD0000000, s2;
	s6 =	simm.s32 $0x108;
	_ =	swait.ge @!p0 [sflag:s8], $0x0  }
0x24: {  	s3 =	sadd.s32 $0x88, s3;
	s6 =	simm.s32 @!p1 $0x1082;
	[sflag:s4] =	ssyncset.s32 $0xFFFFF086  }
0x25: {  	[simem:s6], [sflag:s4] =	dma.local [hbm:s3], $0xF7A  }
0x26: {  	[smem:$0x3F9E] =	sst s1;
	(tag) =	ssettag s2;
	_ =	strace s9  }
0x27: {  	s1 =	sld [smem:$0x3FAE]  }
0x28: {  	s2 =	sld [smem:$0x3FAF]  }
0x29: {  	s4 =	sld [smem:$0x3FB1]  }
0x2a: {  	p0 =	seq.s32 s5, $0x0;
	s5 =	sld [smem:$0x3FB2]  }
0x2b: {  	s6 =	sld [smem:$0x3FB3]  }
0x2c: {  	s7 =	sld [smem:$0x3FB4]  }
0x2d: {  	s3 =	simm.s32 $0x108;
	s8 =	sld [smem:$0x3FB5]  }
0x2e: {  	s3 =	simm.s32 @!p0 $0x1082;
	s9 =	sld [smem:$0x3FB6]  }
0x2f: {  	lr =	sadd.s32 s0, s3;
	s0 =	sld [smem:$0x3FAD]  }
0x30: {  	s3 =	sld [smem:$0x3FB0]  }
0x31: {  	[smem:$0x3FB9] =	sst s10  }
0x32: {  	s10 =	sld [smem:$0x3FB7];
	_ =	sdelay $0x3  }
0x33: {  	p0 =	seq.s32 s10, $0x1;
	s10 =	sld [smem:$0x3FB9];
	_ =	sdelay $0x3  }
0x34: {  	[smem:$0x3FB9] =	sst s10  }
0x35: {  	s10 =	sld [smem:$0x3FB8];
	_ =	sdelay $0x3  }
0x36: {  	p1 =	seq.s32 s10, $0x1;
	s10 =	sld [smem:$0x3FB9];
	_ =	sdelay $0x3  }
0x37: {  	[smem:$0x3FB9] =	sst s10  }
0x38: {  	s10 =	sld [smem:$0x3FBA]  }
0x39: {  	_ = 	snop;
	(pc) =	sbr.ind lr, $3  }
0x3a: {  	_ = 	snop  }
0x3b: {  	_ = 	snop  }
0x3c: {  	p2 =	seq.s32 s10, $0x1;
	s10 =	sld [smem:$0x3FB9]  }
0x3d: {  	_ =	shalt  }
0x3e: {  	_ =	shalt  }
0x3f: {  	_ =	shalt  }
0x40: {  	_ =	shalt  }
0x41: {  	_ =	shalt  }
0x42: {  	_ =	shalt  }
0x43: {  	_ =	shalt  }
0x44: {  	_ =	shalt  }
0x45: {  	_ =	shalt  }
0x46: {  	_ =	shalt  }
0x47: {  	_ =	shalt  }
0x48: {  	_ =	shalt  }
0x49: {  	_ =	shalt  }
0x4a: {  	_ =	shalt  }
0x4b: {  	_ =	shalt  }
0x4c: {  	_ =	shalt  }
0x4d: {  	_ =	shalt  }
0x4e: {  	_ =	shalt  }
0x4f: {  	_ =	shalt  }
0x50: {  	_ =	shalt  }
0x51: {  	_ =	shalt  }
0x52: {  	_ =	shalt  }
0x53: {  	_ =	shalt  }
0x54: {  	_ =	shalt  }
0x55: {  	_ =	shalt  }
0x56: {  	_ =	shalt  }
0x57: {  	_ =	shalt  }
0x58: {  	_ =	shalt  }
0x59: {  	_ =	shalt  }
0x5a: {  	_ =	shalt  }
0x5b: {  	_ =	shalt  }
0x5c: {  	_ =	shalt  }
0x5d: {  	_ =	shalt  }
0x5e: {  	_ =	shalt  }
0x5f: {  	_ =	shalt  }
0x60: {  	_ =	shalt  }
0x61: {  	_ =	shalt  }
0x62: {  	_ =	shalt  }
0x63: {  	_ =	shalt  }
0x64: {  	_ =	shalt  }
0x65: {  	_ =	shalt  }
0x66: {  	_ =	shalt  }
0x67: {  	_ =	shalt  }
0x68: {  	_ =	shalt  }
0x69: {  	_ =	shalt  }
0x6a: {  	_ =	shalt  }
0x6b: {  	_ =	shalt  }
0x6c: {  	_ =	shalt  }
0x6d: {  	_ =	shalt  }
0x6e: {  	_ =	shalt  }
0x6f: {  	_ =	shalt  }
0x70: {  	_ =	shalt  }
0x71: {  	_ =	shalt  }
0x72: {  	_ =	shalt  }
0x73: {  	_ =	shalt  }
0x74: {  	_ =	shalt  }
0x75: {  	_ =	shalt  }
0x76: {  	_ =	shalt  }
0x77: {  	_ =	shalt  }
0x78: {  	_ =	shalt  }
0x79: {  	_ =	shalt  }
0x7a: {  	_ =	shalt  }
0x7b: {  	_ =	shalt  }
0x7c: {  	_ =	shalt  }
0x7d: {  	_ =	shalt  }
0x7e: {  	_ =	shalt  }
0x7f: {  	_ =	shalt  }
0x80: {  	_ =	shalt  }
0x81: {  	_ =	shalt  }
0x82: {  	_ =	shalt  }
0x83: {  	_ =	shalt  }
0x84: {  	_ =	shalt  }
0x85: {  	_ =	shalt  }
0x86: {  	_ =	shalt  }
0x87: {  	_ =	shalt  }
.Lfunc_end0:
.L_simem_size_0:
called_computation_lowered:
.L_overlay_start_0:
0x88: {  	s2 =	sld [smem:$0x3FD9]  }
0x89: {  	s3 =	sld [smem:$0x3FFE];
	_ =	sdelay $0x1  }
0x8a: {  	s1 =	srdreg.scid  }
0x8b: {  	s0 =	sand.u32 $0x1, s1  }
0x8c: {  	s17 =	sshll.u32 s0, $0xA;
	s2 =	sadd.s32 s3, s2  }
0x8d: {  	s2 =	sadd.s32 s2, s17  }
0x8e: {  	[smem:$0x3FC5] =	sst s2  }
0x8f: {  	_ = 	snop  }
0x90: {  	s2 =	sld [smem:$0x3FC8]  }
0x91: {  	s18 =	sld [smem:$0x3FC7]  }
0x92: {  	s4 =	sld [smem:$0x3FD0];
	(tm) =	ssettm $0x1  }
0x93: {  	s5 =	sld [smem:$0x3FFB];
	_ =	sdelay $0x3  }
0x94: {  	_ =	strace s5  }
0x95: {  	s5 =	sld [smem:$0x3FFC];
	_ =	sdelay $0x3  }
0x96: {  	_ =	strace s5  }
0x97: {  	s5 =	sld [smem:$0x3FFD];
	_ =	sdelay $0x3  }
0x98: {  	_ =	strace s5  }
0x99: {  	_ =	strace $0x8FFFFFFF  }
0x9a: {  	s19 =	sld [smem:$0x3FDB];
	_ =	sdelay $0x1  }
0x9b: {  	s6 =	simm.s32 $_scs_section_size  }
0x9c: {  	s7 =	simm.s32 $_size__tile_overlayer_lowered;
	s8 =	simm.s32 $_tile_overlayer_lowered  }
0x9d: {  	s22 =	simm.s32 $0x1BFF;
	s21 =	sshll.u32 s8, $0x1;
	s5 =	sadd.s32 s6, s19  }
0x9e: {  	s9 =	simm.s32 $0x0;
	s20 =	sshll.u32 s7, $0x1;
	s7 =	sadd.s32 s21, s5  }
0x9f: {  	[timem:s9], [sflag:s22] =	dma.local [hbm:s7], s20  }
0xa0: {  	_ =	swait.ge [sflag:s22], s20  }
0xa1: {  	s6 =	ssub.s32 $0x0, s20;
	[sflag:s22] =	ssyncset.done $0x0  }
0xa2: {  	[sflag:s22] =	ssyncadd.s32 s6;
	_ =	sdelay $0x1  }
0xa3: {  	s23 =	simm.s32 $0x1B8B  }
0xa4: {  	_ =	swait.ge [sflag:s23], $0x1  }
0xa5: {  	[sflag:s23] =	ssyncset.done $0x0  }
0xa6: {  	s25 =	simm.s32 $0x1B8E;
	s24 =	sld [smem:$0x3FFE];
	[sflag:s23] =	ssyncadd.s32 $0xFFFFFFFF  }
0xa7: {  	s26 =	simm.s32 $execute0_lowered;
	[smem:$0x3FD2] =	sst s25  }
0xa8: {  	s7 =	sshll.u32 s26, $0x1;
	_ =	strace $0x80000046;
	[dreg:$0x1] =	wrdreg $0xFFFFFFFF  }
0xa9: {  	s28 =	simm.s32 $_size_execute0_lowered;
	s5 =	sadd.s32 s5, s7;
	[dreg:$0x0] =	wrdreg $0x0  }
0xaa: {  	s7 =	sshll.u32 s28, $0x1;
	[dreg:$0x2] =	wrdreg s5  }
0xab: {  	[dreg:$0x3] =	wrdreg s7  }
0xac: {  	[dreg:$0x4] =	wrdreg $0xC0  }
0xad: {  	_ =	task [dreg:s9], $0x5FFFF  }
0xae: {  	[dreg:$0x1] =	wrdreg $0xFFFFFFFF  }
0xaf: {  	[dreg:$0x0] =	wrdreg $0x60  }
0xb0: {  	[dreg:$0x2] =	wrdreg s24  }
0xb1: {  	[dreg:$0x3] =	wrdreg s2  }
0xb2: {  	[dreg:$0x4] =	wrdreg s18  }
0xb3: {  	[dreg:$0x5] =	wrdreg s4  }
0xb4: {  	[dreg:$0x6] =	wrdreg $0x9  }
0xb5: {  	_ =	task.clear_ibuf [dreg:s9], $0x7FFFF;
	_ =	strace $0x90000046  }
0xb6: {  	s29 =	simm.s32 $0x9;
	_ =	strace $0x80000048  }
0xb7: {  	_ =	swait.ge [sflag:s29], $0x1  }
0xb8: {  	[sflag:s29] =	ssyncadd.s32 $0xFFFFFFFF  }
0xb9: {  	_ =	strace $0x90000048  }
0xba: {  	_ =	sfence  }
0xbb: {  	s30 =	sld [smem:$0x0];
	_ =	sdelay $0x2  }
0xbc: {  	s31 =	sshll.u32 s1, $0xD;
	s1 =	sshrl.u32 s1, $0x2  }
0xbd: {  	s3 =	sand.u32 $0x4000, s31;
	s1 =	sadd.s32 s1, s30  }
0xbe: {  	s0 =	sor.u32 s3, s0;
	s1 =	sshll.u32 s1, $0x11  }
0xbf: {  	s0 =	sor.u32 s1, s0  }
0xc0: {  	s0 =	sadd.s32 $0x8F2B, s0  }
0xc1: {  	[sflag:s0] =	ssyncadd.remote.s32 $0x1  }
0xc2: {  	_ =	sfence.sel $0xFFFF  }
0xc3: {  	[dreg:$0x0] =	wrdreg $0xFFFFFFFF;
	(pc) =	sbr.abs _section_cstart, $3  }
0xc4: {  	[dreg:$0x1] =	wrdreg $0xFFFFFFFF  }
0xc5: {  	_ =	task.clear_ibuf [dreg:s9], $0x2FFFF;
	_ =	strace $0x9FFFFFFF  }
0xc6: {  	(tm) =	ssettm $0x7FFFFFFF  }
0xc7: {  	_ =	shalt  }
tec
execute0_lowered:
.L_overlay_start_1:
0x0: {  	(tag) =	ssettag $0x1  }
0x1: {  	s5 =	rddreg [dreg:$0x0]  }
0x2: {  	s1 =	rddreg [dreg:$0x1];
	s2 =	srdreg.scid  }
0x3: {  	s0 =	stileid.u32;
	s3 =	rddreg [dreg:$0x2]  }
0x4: {  	s7 =	rddreg [dreg:$0x3];
	s4 =	simm.s32 $0x0;
	s10 =	simm.s32 $0x6A00  }
0x5: {  	s11 =	simm.s32 $0x6A80;
	s12 =	simm.s32 $0x1;
	s13 =	simm.s32 $0x6800  }
0x6: {  	s6 =	sand.u32 $0x1, s2;
	s29 =	sshll.u32 s0, $0x1;
	s2 =	rddreg [dreg:$0x4]  }
0x7: {  	s14 =	simm.s32 $0x0;
	[smem:$0x7FF] =	sst s4;
	s8 =	sor.u32 s6, s29  }
0x8: {  	s6 =	ssub.s32 $0x2, s6;
	_ =	strace $0x80000047;
	s9 =	smul.u32 $0x680, s8  }
0x9: {  	s30 =	sshrl.u32 s6, $0x1;
	s31 =	sshll.u32 s8, $0x6;
	s8 =	simm.s32 $0x2  }
0xa: {  	s5 =	sadd.s32 s9, s5;
	s9 =	ssub.s32 s6, s30;
	s6 =	sadd.s32 s7, s31  }
0xb: {  	v0 =	vimm.s32 $0x0;
	s5 =	sadd.s32 $0x400, s5;
	s7 =	smax.u32 s9, $0x1;
	s9 =	simm.s32 $0x10  }
.LBB2_1:
0xc: {  	[tilespmem:s4], [sflag:$0x2] =	stream.linear.gather [hbm4b:s5+s4], $0x3400, $0x38;
	[tilespmem:$0x6B00] =	vst v63  }
0xd: {  	_ =	swait.ge [sflag:s8], $0x3400  }
0xe: {  	[sflag:s8] =	ssyncset.done $0x0  }
0xf: {  	[sflag:s8] =	ssyncadd.s32 $0xFFFFCC00  }
0x10: {  	[tilespmem:$0x6A00] =	vst v0  }
0x11: {  	[tilespmem:s11], [sflag:$0x1] =	stream.indirect.gather [hbm4b:s3+s9], $0x1, s10, s9, $0xb8;
	[tilespmem:$0x6B00] =	vst v63  }
0x12: {  	s15 =	simm.s32 $0x3400  }
0x13: {  	[tilespmem:s15], [sflag:$0x1] =	stream.indirect.gather [hbm4b:s1+s15], $0x1, s4, s15, $0xb8;
	[tilespmem:$0x6B00] =	vst v63  }
0x14: {  	_ =	swait.ge [sflag:s12], $0x10  }
0x15: {  	[sflag:s12] =	ssyncset.done $0x0  }
0x16: {  	[sflag:s12] =	ssyncadd.s32 $0xFFFFFFF0  }
0x17: {  	_ =	swait.ge [sflag:s12], $0x3400  }
0x18: {  	[sflag:s12] =	ssyncset.done $0x0  }
0x19: {  	[sflag:s12] =	ssyncadd.s32 $0xFFFFCC00  }
0x1a: {  	v1 =	vld [tilespmem:$0x6A80]  }
0x1b: {  	v2 =	vld [tilespmem:s15+$0x0]  }
0x1c: {  	s31 =	sand.u32 $0x1F0, s4  }
0x1d: {  	v3 =	vld [tilespmem:s31+$0x3600];
	_ =	sdelay $0x1  }
0x1e: {  	v4 =	vld [tilespmem:s31+$0x3800]  }
0x1f: {  	v2 =	vadd.f32 v2, v1  }
0x20: {  	v5 =	vld [tilespmem:s31+$0x3A00]  }
0x21: {  	v2 =	vadd.f32 v3, v2  }
0x22: {  	v3 =	vld [tilespmem:s31+$0x3C00]  }
0x23: {  	v2 =	vadd.f32 v4, v2  }
0x24: {  	v50 =	vld [tilespmem:s31+$0x3E00]  }
0x25: {  	v2 =	vadd.f32 v5, v2  }
0x26: {  	v51 =	vld [tilespmem:s31+$0x4000]  }
0x27: {  	v2 =	vadd.f32 v3, v2  }
0x28: {  	v3 =	vld [tilespmem:s31+$0x4200]  }
0x29: {  	v2 =	vadd.f32 v50, v2  }
0x2a: {  	v52 =	vld [tilespmem:s31+$0x4400]  }
0x2b: {  	v2 =	vadd.f32 v51, v2  }
0x2c: {  	v53 =	vld [tilespmem:s31+$0x4600]  }
0x2d: {  	v2 =	vadd.f32 v3, v2  }
0x2e: {  	v3 =	vld [tilespmem:s31+$0x4800]  }
0x2f: {  	v2 =	vadd.f32 v52, v2  }
0x30: {  	v54 =	vld [tilespmem:s31+$0x4A00]  }
0x31: {  	v2 =	vadd.f32 v53, v2  }
0x32: {  	v55 =	vld [tilespmem:s31+$0x4C00]  }
0x33: {  	v2 =	vadd.f32 v3, v2  }
0x34: {  	v3 =	vld [tilespmem:s31+$0x4E00]  }
0x35: {  	v2 =	vadd.f32 v54, v2  }
0x36: {  	v56 =	vld [tilespmem:s31+$0x5000]  }
0x37: {  	v2 =	vadd.f32 v55, v2  }
0x38: {  	v57 =	vld [tilespmem:s31+$0x5200]  }
0x39: {  	v2 =	vadd.f32 v3, v2  }
0x3a: {  	v3 =	vld [tilespmem:s31+$0x5400]  }
0x3b: {  	v2 =	vadd.f32 v56, v2  }
0x3c: {  	v58 =	vld [tilespmem:s31+$0x5600]  }
0x3d: {  	v2 =	vadd.f32 v57, v2  }
0x3e: {  	v59 =	vld [tilespmem:s31+$0x5800]  }
0x3f: {  	v2 =	vadd.f32 v3, v2  }
0x40: {  	v3 =	vld [tilespmem:s31+$0x5A00]  }
0x41: {  	v2 =	vadd.f32 v58, v2  }
0x42: {  	v60 =	vld [tilespmem:s31+$0x5C00]  }
0x43: {  	v2 =	vadd.f32 v59, v2  }
0x44: {  	v61 =	vld [tilespmem:s31+$0x5E00]  }
0x45: {  	v2 =	vadd.f32 v3, v2  }
0x46: {  	v3 =	vld [tilespmem:s31+$0x6000]  }
0x47: {  	v2 =	vadd.f32 v60, v2  }
0x48: {  	v62 =	vld [tilespmem:s31+$0x6200]  }
0x49: {  	v2 =	vadd.f32 v61, v2  }
0x4a: {  	v63 =	vld [tilespmem:s31+$0x6400]  }
0x4b: {  	v2 =	vadd.f32 v3, v2  }
0x4c: {  	v3 =	vld [tilespmem:s31+$0x6600]  }
0x4d: {  	v2 =	vadd.f32 v62, v2;
	_ =	sdelay $0x1  }
0x4e: {  	v2 =	vadd.f32 v63, v2;
	_ =	sdelay $0x1  }
0x4f: {  	v2 =	vadd.f32 v3, v2;
	_ =	sdelay $0x1  }
0x50: {  	s16 =	simm.s32 $0x3410;
	[tilespmem:s13+$0x0] =	vst v2  }
0x51: {  	s17 =	simm.s32 $0x10;
	s18 =	simm.s32 $0x20;
	s15 =	simm.s32 $0x6800;
	v2 =	vld [tilespmem:s16+$0x0]  }
.LBB2_2:
0x52: {  	p0 =	sne.s32 s18, $0x1F0;
	s19 =	sand.u32 $0x1F0, s17;
	s17 =	smov.u32 s18  }
0x53: {  	v3 =	vld [tilespmem:s19+$0x3600];
	_ =	sdelay $0x1  }
0x54: {  	v4 =	vld [tilespmem:s19+$0x3800]  }
0x55: {  	v2 =	vadd.f32 v2, v1  }
0x56: {  	v5 =	vld [tilespmem:s19+$0x3A00]  }
0x57: {  	v2 =	vadd.f32 v3, v2  }
0x58: {  	v3 =	vld [tilespmem:s19+$0x3C00]  }
0x59: {  	v2 =	vadd.f32 v4, v2  }
0x5a: {  	v4 =	vld [tilespmem:s19+$0x3E00]  }
0x5b: {  	v2 =	vadd.f32 v5, v2  }
0x5c: {  	v5 =	vld [tilespmem:s19+$0x4000]  }
0x5d: {  	v2 =	vadd.f32 v3, v2  }
0x5e: {  	v3 =	vld [tilespmem:s19+$0x4200]  }
0x5f: {  	v2 =	vadd.f32 v4, v2  }
0x60: {  	v4 =	vld [tilespmem:s19+$0x4400]  }
0x61: {  	v2 =	vadd.f32 v5, v2  }
0x62: {  	v5 =	vld [tilespmem:s19+$0x4600]  }
0x63: {  	v2 =	vadd.f32 v3, v2  }
0x64: {  	v3 =	vld [tilespmem:s19+$0x4800]  }
0x65: {  	v2 =	vadd.f32 v4, v2  }
0x66: {  	v4 =	vld [tilespmem:s19+$0x4A00]  }
0x67: {  	v2 =	vadd.f32 v5, v2  }
0x68: {  	v5 =	vld [tilespmem:s19+$0x4C00]  }
0x69: {  	v2 =	vadd.f32 v3, v2  }
0x6a: {  	v3 =	vld [tilespmem:s19+$0x4E00]  }
0x6b: {  	v2 =	vadd.f32 v4, v2  }
0x6c: {  	v4 =	vld [tilespmem:s19+$0x5000]  }
0x6d: {  	v2 =	vadd.f32 v5, v2  }
0x6e: {  	v5 =	vld [tilespmem:s19+$0x5200]  }
0x6f: {  	v2 =	vadd.f32 v3, v2  }
0x70: {  	v3 =	vld [tilespmem:s19+$0x5400]  }
0x71: {  	v2 =	vadd.f32 v4, v2  }
0x72: {  	v4 =	vld [tilespmem:s19+$0x5600]  }
0x73: {  	v2 =	vadd.f32 v5, v2  }
0x74: {  	v5 =	vld [tilespmem:s19+$0x5800]  }
0x75: {  	v2 =	vadd.f32 v3, v2  }
0x76: {  	v3 =	vld [tilespmem:s19+$0x5A00]  }
0x77: {  	v2 =	vadd.f32 v4, v2  }
0x78: {  	v4 =	vld [tilespmem:s19+$0x5C00]  }
0x79: {  	v2 =	vadd.f32 v5, v2  }
0x7a: {  	v5 =	vld [tilespmem:s19+$0x5E00]  }
0x7b: {  	v2 =	vadd.f32 v3, v2  }
0x7c: {  	v3 =	vld [tilespmem:s19+$0x6000]  }
0x7d: {  	v2 =	vadd.f32 v4, v2  }
0x7e: {  	v4 =	vld [tilespmem:s19+$0x6200]  }
0x7f: {  	v2 =	vadd.f32 v5, v2  }
0x80: {  	v5 =	vld [tilespmem:s19+$0x6400]  }
0x81: {  	v2 =	vadd.f32 v3, v2  }
0x82: {  	v3 =	vld [tilespmem:s19+$0x6600]  }
0x83: {  	v2 =	vadd.f32 v4, v2;
	_ =	sdelay $0x1  }
0x84: {  	v2 =	vadd.f32 v5, v2  }
.Ltmp0:
0x85: {  	(pc) =	sbr.rel @p0 .LBB2_2-.Ltmp0, $4  }
0x86: {  	v2 =	vadd.f32 v3, v2  }
0x87: {  	s15 =	sadd.s32 $0x10, s15  }
0x88: {  	s16 =	sadd.s32 $0x10, s16;
	[tilespmem:s15+$0x0] =	vst v2  }
0x89: {  	s18 =	sadd.s32 $0x10, s18;
	v2 =	vld [tilespmem:s16+$0x0]  }
0x8a: {  	s16 =	sand.u32 $0x1F0, s17  }
0x8b: {  	v3 =	vld [tilespmem:s16+$0x3600];
	_ =	sdelay $0x1  }
0x8c: {  	v4 =	vld [tilespmem:s16+$0x3800]  }
0x8d: {  	v1 =	vadd.f32 v2, v1  }
0x8e: {  	v2 =	vld [tilespmem:s16+$0x3A00]  }
0x8f: {  	v1 =	vadd.f32 v3, v1  }
0x90: {  	v3 =	vld [tilespmem:s16+$0x3C00]  }
0x91: {  	v1 =	vadd.f32 v4, v1  }
0x92: {  	v57 =	vld [tilespmem:s16+$0x3E00]  }
0x93: {  	v1 =	vadd.f32 v2, v1  }
0x94: {  	v2 =	vld [tilespmem:s16+$0x4000]  }
0x95: {  	v1 =	vadd.f32 v3, v1  }
0x96: {  	v3 =	vld [tilespmem:s16+$0x4200]  }
0x97: {  	v1 =	vadd.f32 v57, v1  }
0x98: {  	v58 =	vld [tilespmem:s16+$0x4400]  }
0x99: {  	v1 =	vadd.f32 v2, v1  }
0x9a: {  	v2 =	vld [tilespmem:s16+$0x4600]  }
0x9b: {  	v1 =	vadd.f32 v3, v1  }
0x9c: {  	v3 =	vld [tilespmem:s16+$0x4800]  }
0x9d: {  	v1 =	vadd.f32 v58, v1  }
0x9e: {  	v59 =	vld [tilespmem:s16+$0x4A00]  }
0x9f: {  	v1 =	vadd.f32 v2, v1  }
0xa0: {  	v2 =	vld [tilespmem:s16+$0x4C00]  }
0xa1: {  	v1 =	vadd.f32 v3, v1  }
0xa2: {  	v3 =	vld [tilespmem:s16+$0x4E00]  }
0xa3: {  	v1 =	vadd.f32 v59, v1  }
0xa4: {  	v60 =	vld [tilespmem:s16+$0x5000]  }
0xa5: {  	v1 =	vadd.f32 v2, v1  }
0xa6: {  	v2 =	vld [tilespmem:s16+$0x5200]  }
0xa7: {  	v1 =	vadd.f32 v3, v1  }
0xa8: {  	v3 =	vld [tilespmem:s16+$0x5400]  }
0xa9: {  	v1 =	vadd.f32 v60, v1  }
0xaa: {  	v61 =	vld [tilespmem:s16+$0x5600]  }
0xab: {  	v1 =	vadd.f32 v2, v1  }
0xac: {  	v2 =	vld [tilespmem:s16+$0x5800]  }
0xad: {  	v1 =	vadd.f32 v3, v1  }
0xae: {  	v3 =	vld [tilespmem:s16+$0x5A00]  }
0xaf: {  	v1 =	vadd.f32 v61, v1  }
0xb0: {  	v62 =	vld [tilespmem:s16+$0x5C00]  }
0xb1: {  	v1 =	vadd.f32 v2, v1  }
0xb2: {  	v2 =	vld [tilespmem:s16+$0x5E00]  }
0xb3: {  	v1 =	vadd.f32 v3, v1  }
0xb4: {  	v3 =	vld [tilespmem:s16+$0x6000]  }
0xb5: {  	v1 =	vadd.f32 v62, v1  }
0xb6: {  	v63 =	vld [tilespmem:s16+$0x6200]  }
0xb7: {  	v1 =	vadd.f32 v2, v1  }
0xb8: {  	v2 =	vld [tilespmem:s16+$0x6400]  }
0xb9: {  	v1 =	vadd.f32 v3, v1  }
0xba: {  	v3 =	vld [tilespmem:s16+$0x6600]  }
0xbb: {  	v1 =	vadd.f32 v63, v1;
	_ =	sdelay $0x1  }
0xbc: {  	v1 =	vadd.f32 v2, v1;
	_ =	sdelay $0x1  }
0xbd: {  	s14 =	sadd.s32 $0x1, s14;
	v1 =	vadd.f32 v3, v1  }
0xbe: {  	s15 =	sadd.s32 $0x10, s15;
	p0 =	sne.s32 s14, s7  }
.Ltmp1:
0xbf: {  	[tilespmem:s15+$0x0] =	vst v1;
	(pc) =	sbr.rel @p0 .LBB2_1-.Ltmp1, $4  }
0xc0: {  	[hbm4b:s6+s4] =	stream.linear.scatter [tilespmem:s13], [sflag:$0x2], $0x200, $0x38;
	[tilespmem:$0x6B00] =	vst v63  }
0xc1: {  	_ =	swait.ge [sflag:s8], $0x200  }
0xc2: {  	[sflag:s8] =	ssyncset.done $0x0  }
0xc3: {  	[sflag:s8] =	ssyncadd.s32 $0xFFFFFE00  }
0xc4: {  	_ =	sfence.sel $0x180000  }
0xc5: {  	[bflag:$0x0] =	sbarrier.arrive $0xFFFF  }
0xc6: {  	p0 =	sne.s32 s0, $0x0;
	_ =	strace $0x90000047  }
0xc7: {  	s0 =	sadd.s32 @!p0 $0x100000, s2;
	[bflag:$0x2] =	sbarrier.arrive $0xFFFF  }
0xc8: {  	[sflag:s0] =	ssyncadd.tile.s32 @!p0 $0x1;
	_ =	shalt  }
.Lfunc_end2:
_tile_overlayer_lowered:
.L_overlay_start_2:
0xc9: {  	(tag) =	ssettag $0x2  }
0xca: {  	s0 =	rddreg [dreg:$0x0];
	s2 =	stileid.u32  }
0xcb: {  	s1 =	rddreg [dreg:$0x1];
	p0 =	sne.s32 s2, $0x0  }
0xcc: {  	s3 =	rddreg [dreg:$0x2];
	[bflag:$0x3] =	sbarrier.arrive $0xFFFF;
	s2 =	simm.s32 @!p0 $0x1C02  }
0xcd: {  	[timem:s3], [sflag:s2] =	dma.local @!p0 [hbm:s0], s1  }
0xce: {  	s0 =	simm.s32 @!p0 $0x2  }
0xcf: {  	_ =	swait.ge @!p0 [sflag:s0], s1  }
0xd0: {  	s1 =	ssub.s32 @!p0 $0x0, s1;
	[sflag:s0] =	ssyncset.done @!p0 $0x0  }
0xd1: {  	[sflag:s0] =	ssyncadd.s32 @!p0 s1  }
0xd2: {  	[bflag:$0x3] =	sbarrier.arrive $0xFFFF  }
0xd3: {  	_ =	shalt  }

</sc_bundles>
